<compile_context>
chip_gen: v7x
topology: tpu7x:2x2x1
jax: 0.10.2.dev20260603
libtpu: 0.0.44.dev20260713+nightly
codegen_flags: <defaults>
</compile_context>

<pallas_src>
import functools

import jax
import jax.numpy as jnp
from jax import lax
from jax.experimental import pallas as pl
from jax.experimental.pallas import tpu as pltpu
from jax.experimental.pallas import tpu_sc as plsc

_N = 10000
_D = 128
_NP = 10112
_NW = 32
_CH = 128
_NCH = 80
_HCH = 80
_EP = _NW * _NCH * _CH
_BN_EPS = 1e-5
_BLK = 1000
_NB = _N // _BLK


def _sc_agg_body(h_hbm, srcs_hbm, dsts_hbm, zeros_hbm, out_hbm,
                 src_v, dst_v, rows0_v, acc_sh, sem0):
    cid = lax.axis_index("c")
    sid = lax.axis_index("s")
    wid = sid * 2 + cid
    rz = _NP // 16

    pltpu.sync_copy(zeros_hbm.at[pl.ds(sid * rz, rz)],
                    acc_sh.at[pl.ds(sid * rz, rz)])
    plsc.subcore_barrier()

    def phase(p, carry):
        pltpu.sync_copy(srcs_hbm.at[wid, p], src_v)
        pltpu.sync_copy(dsts_hbm.at[wid, p], dst_v)

        def chunk(c, carry2):
            pltpu.async_copy(h_hbm.at[src_v.at[c]], rows0_v, sem0).wait()
            pltpu.sync_copy(rows0_v, acc_sh.at[dst_v.at[c]], add=True)
            return carry2

        lax.fori_loop(0, _HCH, chunk, 0)
        return carry

    lax.fori_loop(0, _NCH // _HCH, phase, 0)
    plsc.subcore_barrier()
    pltpu.sync_copy(acc_sh.at[pl.ds(sid * rz, rz)],
                    out_hbm.at[cid, pl.ds(sid * rz, rz)])


@jax.jit
def _sc_agg(h, srcs, dsts, zeros):
    mesh = plsc.VectorSubcoreMesh(core_axis_name="c", subcore_axis_name="s")
    return pl.kernel(
        _sc_agg_body,
        out_type=jax.ShapeDtypeStruct((2, _NP, _D), jnp.float32),
        mesh=mesh,
        scratch_types=[
            pltpu.VMEM((_HCH, _CH), jnp.int32),
            pltpu.VMEM((_HCH, _CH), jnp.int32),
            pltpu.VMEM((_CH, _D), jnp.float32),
            pltpu.VMEM_SHARED((_NP, _D), jnp.float32),
            pltpu.SemaphoreType.DMA,
        ],
    )(h, srcs, dsts, zeros)


def _mlp_body(eps_ref, x_ref, p0_ref, p1_ref, wa_ref, ba_ref, wb_ref, bb_ref,
              hpre_ref, stats_ref, acc_ref):
    h = x_ref[...] * (1.0 + eps_ref[0]) + p0_ref[...] + p1_ref[...]
    h = jnp.maximum(
        jnp.dot(h, wa_ref[...], preferred_element_type=jnp.float32)
        + ba_ref[...], 0.0)
    h = jnp.maximum(
        jnp.dot(h, wb_ref[...], preferred_element_type=jnp.float32)
        + bb_ref[...], 0.0)
    hpre_ref[...] = h
    i = pl.program_id(0)

    @pl.when(i == 0)
    def _():
        acc_ref[...] = jnp.zeros_like(acc_ref)

    acc_ref[0:1, :] += jnp.sum(h, axis=0, keepdims=True)
    acc_ref[1:2, :] += jnp.sum(h * h, axis=0, keepdims=True)

    @pl.when(i == pl.num_programs(0) - 1)
    def _():
        stats_ref[...] = acc_ref[...]


@jax.jit
def _mlp(eps, x, p0, p1, wa, ba, wb, bb):
    return pl.pallas_call(
        _mlp_body,
        grid=(_NB,),
        in_specs=[
            pl.BlockSpec(memory_space=pltpu.SMEM),
            pl.BlockSpec((_BLK, _D), lambda i: (i, 0)),
            pl.BlockSpec((_BLK, _D), lambda i: (i, 0)),
            pl.BlockSpec((_BLK, _D), lambda i: (i, 0)),
            pl.BlockSpec((_D, _D), lambda i: (0, 0)),
            pl.BlockSpec((1, _D), lambda i: (0, 0)),
            pl.BlockSpec((_D, _D), lambda i: (0, 0)),
            pl.BlockSpec((1, _D), lambda i: (0, 0)),
        ],
        out_specs=[
            pl.BlockSpec((_BLK, _D), lambda i: (i, 0)),
            pl.BlockSpec((8, _D), lambda i: (0, 0)),
        ],
        out_shape=[
            jax.ShapeDtypeStruct((_N, _D), jnp.float32),
            jax.ShapeDtypeStruct((8, _D), jnp.float32),
        ],
        scratch_shapes=[pltpu.VMEM((8, _D), jnp.float32)],
    )(eps.reshape(1), x, p0, p1, wa, ba.reshape(1, _D), wb, bb.reshape(1, _D))


def _bn_body(stats_ref, g_ref, b_ref, h_ref, out_ref):
    mu = stats_ref[0:1, :] * (1.0 / _N)
    var = stats_ref[1:2, :] * (1.0 / _N) - mu * mu
    scale = g_ref[...] * lax.rsqrt(var + _BN_EPS)
    shift = b_ref[...] - mu * scale
    out_ref[...] = h_ref[...] * scale + shift


@jax.jit
def _bn(stats, g, b, h):
    return pl.pallas_call(
        _bn_body,
        grid=(_NB,),
        in_specs=[
            pl.BlockSpec((8, _D), lambda i: (0, 0)),
            pl.BlockSpec((1, _D), lambda i: (0, 0)),
            pl.BlockSpec((1, _D), lambda i: (0, 0)),
            pl.BlockSpec((_BLK, _D), lambda i: (i, 0)),
        ],
        out_specs=pl.BlockSpec((_BLK, _D), lambda i: (i, 0)),
        out_shape=jax.ShapeDtypeStruct((_N, _D), jnp.float32),
    )(stats, g.reshape(1, _D), b.reshape(1, _D), h)


def _bn_lsm_body(stats_ref, g_ref, b_ref, h_ref, out_ref, lsm_ref):
    mu = stats_ref[0:1, :] * (1.0 / _N)
    var = stats_ref[1:2, :] * (1.0 / _N) - mu * mu
    scale = g_ref[...] * lax.rsqrt(var + _BN_EPS)
    shift = b_ref[...] - mu * scale
    h = h_ref[...] * scale + shift
    out_ref[...] = h
    m = jnp.max(h, axis=-1, keepdims=True)
    lse = jnp.log(jnp.sum(jnp.exp(h - m), axis=-1, keepdims=True)) + m
    lsm_ref[...] = h - lse


@jax.jit
def _bn_lsm(stats, g, b, h):
    return pl.pallas_call(
        _bn_lsm_body,
        grid=(_NB,),
        in_specs=[
            pl.BlockSpec((8, _D), lambda i: (0, 0)),
            pl.BlockSpec((1, _D), lambda i: (0, 0)),
            pl.BlockSpec((1, _D), lambda i: (0, 0)),
            pl.BlockSpec((_BLK, _D), lambda i: (i, 0)),
        ],
        out_specs=[
            pl.BlockSpec((_BLK, _D), lambda i: (i, 0)),
            pl.BlockSpec((_BLK, _D), lambda i: (i, 0)),
        ],
        out_shape=[
            jax.ShapeDtypeStruct((_N, _D), jnp.float32),
            jax.ShapeDtypeStruct((_N, _D), jnp.float32),
        ],
    )(stats, g.reshape(1, _D), b.reshape(1, _D), h)


def kernel(x, edge_index, W1_1, b1_1, W1_2, b1_2, bn1_g, bn1_b, eps1,
           W2_1, b2_1, W2_2, b2_2, bn2_g, bn2_b, eps2):
    edge_index = edge_index.astype(jnp.int32)
    pad = _EP - edge_index.shape[1]
    ar = jnp.arange(pad, dtype=jnp.int32)
    srcs = jnp.concatenate(
        [edge_index[0], ar % _N]
    ).reshape(_NW, _NCH // _HCH, _HCH, _CH)
    dsts = jnp.concatenate(
        [edge_index[1], _N + ar % (_NP - _N)]
    ).reshape(_NW, _NCH // _HCH, _HCH, _CH)
    zeros = jnp.zeros((_NP, _D), jnp.float32)

    p = _sc_agg(x, srcs, dsts, zeros)
    hpre1, stats1 = _mlp(eps1, x, p[0, :_N], p[1, :_N],
                         W1_1, b1_1, W1_2, b1_2)
    h1 = _bn(stats1, bn1_g, bn1_b, hpre1)

    p2 = _sc_agg(h1, srcs, dsts, zeros)
    hpre2, stats2 = _mlp(eps2, h1, p2[0, :_N], p2[1, :_N],
                         W2_1, b2_1, W2_2, b2_2)
    h2, lsm = _bn_lsm(stats2, bn2_g, bn2_b, hpre2)
    return (h2, lsm)

# --- scband reference (transcript-rebuilt; emitter-appended) ---
"""Pipeline reference for scband-my-gin-4157528342729 (READ-ONLY COPY).

The authoritative reference and input builder live on the scoring server;
editing this copy changes nothing except your own understanding.
"""

import jax, jax.numpy as jnp
import numpy as np

N = 10000
E = 320000
D = 128
H = 128
O = 128
BN_EPS = 1e-5


def setup_inputs(seed: int = 0) -> dict:
    key = jax.random.key(seed)
    ks = jax.random.split(key, 12)
    x = jax.random.normal(ks[0], (N, D), dtype=jnp.float32)
    edge_index = jax.random.randint(ks[1], (2, E), 0, N, dtype=jnp.int32)
    s = 0.05
    W1_1 = jax.random.normal(ks[2], (D, H), dtype=jnp.float32) * s
    b1_1 = jnp.zeros((H,), dtype=jnp.float32)
    W1_2 = jax.random.normal(ks[3], (H, H), dtype=jnp.float32) * s
    b1_2 = jnp.zeros((H,), dtype=jnp.float32)
    bn1_g = jnp.ones((H,), dtype=jnp.float32)
    bn1_b = jnp.zeros((H,), dtype=jnp.float32)
    eps1 = jnp.zeros((), dtype=jnp.float32)
    W2_1 = jax.random.normal(ks[4], (H, H), dtype=jnp.float32) * s
    b2_1 = jnp.zeros((H,), dtype=jnp.float32)
    W2_2 = jax.random.normal(ks[5], (H, O), dtype=jnp.float32) * s
    b2_2 = jnp.zeros((O,), dtype=jnp.float32)
    bn2_g = jnp.ones((O,), dtype=jnp.float32)
    bn2_b = jnp.zeros((O,), dtype=jnp.float32)
    eps2 = jnp.zeros((), dtype=jnp.float32)
    return {
        'x': x, 'edge_index': edge_index,
        'W1_1': W1_1, 'b1_1': b1_1, 'W1_2': W1_2, 'b1_2': b1_2,
        'bn1_g': bn1_g, 'bn1_b': bn1_b, 'eps1': eps1,
        'W2_1': W2_1, 'b2_1': b2_1, 'W2_2': W2_2, 'b2_2': b2_2,
        'bn2_g': bn2_g, 'bn2_b': bn2_b, 'eps2': eps2,
    }


def _gin_conv(x, edge_index, eps, Wa, ba, Wb, bb, gamma, beta):
    # GINConv with train_eps: out = nn((1+eps)*x + sum_{j->i} x_j)
    src = edge_index[0]
    dst = edge_index[1]
    agg = jax.ops.segment_sum(x[src], dst, num_segments=x.shape[0])
    h = (1.0 + eps) * x + agg
    # Sequential(Linear, ReLU, Linear, ReLU, BatchNorm1d) in training mode
    h = jax.nn.relu(h @ Wa + ba)
    h = jax.nn.relu(h @ Wb + bb)
    mu = jnp.mean(h, axis=0)
    var = jnp.var(h, axis=0)
    h = (h - mu) / jnp.sqrt(var + BN_EPS) * gamma + beta
    return h


def reference(x, edge_index, W1_1, b1_1, W1_2, b1_2, bn1_g, bn1_b, eps1,
              W2_1, b2_1, W2_2, b2_2, bn2_g, bn2_b, eps2):
    edge_index = edge_index.astype(jnp.int32)
    h = _gin_conv(x, edge_index, eps1, W1_1, b1_1, W1_2, b1_2, bn1_g, bn1_b)
    h = _gin_conv(h, edge_index, eps2, W2_1, b2_1, W2_2, b2_2, bn2_g, bn2_b)
    node_embeddings = h
    return (node_embeddings, jax.nn.log_softmax(h, axis=-1))

if __name__ == "__main__":
    import jax
    _d = setup_inputs()
    print(jax.jit(kernel)(*tuple(_d.values())))

</pallas_src>

<mosaic_0001>
#map = affine_map<(d0, d1) -> (0, 0)>
#map1 = affine_map<(d0, d1) -> (0, 0, 0, 0)>
#map2 = affine_map<(d0, d1) -> (0, 0, 0)>
module attributes {stable_mosaic.version = 14 : i64} {
  func.func @_sc_agg_body(%arg0: i32, %arg1: i32, %arg2: memref<10000x128xf32, #tpu.memory_space<hbm>>, %arg3: memref<32x1x80x128xi32, #tpu.memory_space<hbm>>, %arg4: memref<32x1x80x128xi32, #tpu.memory_space<hbm>>, %arg5: memref<10112x128xf32, #tpu.memory_space<hbm>>, %arg6: memref<2x10112x128xf32, #tpu.memory_space<hbm>>, %arg7: memref<80x128xi32, #tpu.memory_space<vmem>>, %arg8: memref<80x128xi32, #tpu.memory_space<vmem>>, %arg9: memref<128x128xf32, #tpu.memory_space<vmem>>, %arg10: memref<10112x128xf32, #tpu.memory_space<vmem_shared>>, %arg11: memref<!tpu.dma_semaphore, #tpu.memory_space<semaphore_mem>>) attributes {dimension_semantics = [#tpu.dimension_semantics<core_parallel>, #tpu.dimension_semantics<subcore_parallel>], iteration_bounds = array<i64: 2, 16>, scalar_prefetch = 0 : i64, scratch_operands = 5 : i64, tpu.core_type = #tpu.core_type<sc_vector_subcore>, window_params = [{transform_indices = #map}, {transform_indices = #map1}, {transform_indices = #map1}, {transform_indices = #map}, {transform_indices = #map2}]} {
    %mul3A = arith.constant 2 : i32
    %mul3A_0 = arith.muli %arg1, %mul3A : i32
    %add3A = arith.addi %mul3A_0, %arg0 : i32
    %mul3A_1 = arith.constant 632 : i32
    %mul3A_2 = arith.muli %arg1, %mul3A_1 : i32
    %mul3A_3 = arith.constant 632 : i32
    %mul3A_4 = arith.muli %arg1, %mul3A_3 : i32
    "tpu.region"() ({
      %run_scoped3A = tpu.sem_alloc : memref<!tpu.dma_semaphore, #tpu.memory_space<semaphore_mem>>
      %dma_start3A = arith.constant 0 : i32
      %dma_start3A_18 = tpu.memref_slice %arg10[%mul3A_4, %dma_start3A] : memref<10112x128xf32, #tpu.memory_space<vmem_shared>> -> memref<632x128xf32, #tpu.memory_space<vmem_shared>>
      %dma_start3A_19 = arith.constant 0 : i32
      %dma_start3A_20 = tpu.memref_slice %arg5[%mul3A_2, %dma_start3A_19] : memref<10112x128xf32, #tpu.memory_space<hbm>> -> memref<632x128xf32, #tpu.memory_space<hbm>>
      tpu.enqueue_dma source(%dma_start3A_20 : memref<632x128xf32, #tpu.memory_space<hbm>>) target(%dma_start3A_18 : memref<632x128xf32, #tpu.memory_space<vmem_shared>>) target_semaphore(%run_scoped3A : memref<!tpu.dma_semaphore, #tpu.memory_space<semaphore_mem>>)
      %dma_wait3A = arith.constant 0 : i32
      %dma_wait3A_21 = tpu.memref_slice %arg10[%mul3A_4, %dma_wait3A] : memref<10112x128xf32, #tpu.memory_space<vmem_shared>> -> memref<632x128xf32, #tpu.memory_space<vmem_shared>>
      %dma_wait3A_22 = arith.constant 0 : i32
      %dma_wait3A_23 = tpu.memref_slice %arg5[%mul3A_2, %dma_wait3A_22] : memref<10112x128xf32, #tpu.memory_space<hbm>> -> memref<632x128xf32, #tpu.memory_space<hbm>>
      tpu.wait_dma2 semaphore(%run_scoped3A : memref<!tpu.dma_semaphore, #tpu.memory_space<semaphore_mem>>) src(%dma_wait3A_23 : memref<632x128xf32, #tpu.memory_space<hbm>>) dst(%dma_wait3A_21 : memref<632x128xf32, #tpu.memory_space<vmem_shared>>)
      tpu.yield
    }) : () -> ()
    %barrier3A = arith.constant 0 : index
    tpu.barrier barrier_id(%barrier3A)
    %scan3A = arith.constant 0 : i32
    %scan3A_5 = arith.constant 0 : i32
    "tpu.region"() ({
      %run_scoped3A = tpu.sem_alloc : memref<!tpu.dma_semaphore, #tpu.memory_space<semaphore_mem>>
      %dma_start3A = arith.constant 0 : i32
      %dma_start3A_18 = arith.constant 0 : i32
      %dma_start3A_19 = tpu.memref_slice %arg3[%add3A, %scan3A_5, %dma_start3A, %dma_start3A_18] : memref<32x1x80x128xi32, #tpu.memory_space<hbm>> -> memref<1x1x80x128xi32, #tpu.memory_space<hbm>>
      %dma_start3A_20 = tpu.memref_squeeze %dma_start3A_19 : memref<1x1x80x128xi32, #tpu.memory_space<hbm>> -> memref<80x128xi32, #tpu.memory_space<hbm>>
      %dma_start3A_21 = arith.constant 0 : i32
      %dma_start3A_22 = arith.constant 0 : i32
      %dma_start3A_23 = tpu.memref_slice %arg3[%add3A, %scan3A_5, %dma_start3A_21, %dma_start3A_22] : memref<32x1x80x128xi32, #tpu.memory_space<hbm>> -> memref<1x1x80x128xi32, #tpu.memory_space<hbm>>
      %dma_start3A_24 = tpu.memref_squeeze %dma_start3A_23 : memref<1x1x80x128xi32, #tpu.memory_space<hbm>> -> memref<80x128xi32, #tpu.memory_space<hbm>>
      tpu.enqueue_dma source(%dma_start3A_24 : memref<80x128xi32, #tpu.memory_space<hbm>>) target(%arg7 : memref<80x128xi32, #tpu.memory_space<vmem>>) target_semaphore(%run_scoped3A : memref<!tpu.dma_semaphore, #tpu.memory_space<semaphore_mem>>)
      %dma_wait3A = arith.constant 0 : i32
      %dma_wait3A_25 = arith.constant 0 : i32
      %dma_wait3A_26 = tpu.memref_slice %arg3[%add3A, %scan3A_5, %dma_wait3A, %dma_wait3A_25] : memref<32x1x80x128xi32, #tpu.memory_space<hbm>> -> memref<1x1x80x128xi32, #tpu.memory_space<hbm>>
      %dma_wait3A_27 = tpu.memref_squeeze %dma_wait3A_26 : memref<1x1x80x128xi32, #tpu.memory_space<hbm>> -> memref<80x128xi32, #tpu.memory_space<hbm>>
      %dma_wait3A_28 = arith.constant 0 : i32
      %dma_wait3A_29 = arith.constant 0 : i32
      %dma_wait3A_30 = tpu.memref_slice %arg3[%add3A, %scan3A_5, %dma_wait3A_28, %dma_wait3A_29] : memref<32x1x80x128xi32, #tpu.memory_space<hbm>> -> memref<1x1x80x128xi32, #tpu.memory_space<hbm>>
      %dma_wait3A_31 = tpu.memref_squeeze %dma_wait3A_30 : memref<1x1x80x128xi32, #tpu.memory_space<hbm>> -> memref<80x128xi32, #tpu.memory_space<hbm>>
      tpu.wait_dma2 semaphore(%run_scoped3A : memref<!tpu.dma_semaphore, #tpu.memory_space<semaphore_mem>>) src(%dma_wait3A_31 : memref<80x128xi32, #tpu.memory_space<hbm>>) dst(%arg7 : memref<80x128xi32, #tpu.memory_space<vmem>>)
      tpu.yield
    }) : () -> ()
    "tpu.region"() ({
      %run_scoped3A = tpu.sem_alloc : memref<!tpu.dma_semaphore, #tpu.memory_space<semaphore_mem>>
      %dma_start3A = arith.constant 0 : i32
      %dma_start3A_18 = arith.constant 0 : i32
      %dma_start3A_19 = tpu.memref_slice %arg4[%add3A, %scan3A_5, %dma_start3A, %dma_start3A_18] : memref<32x1x80x128xi32, #tpu.memory_space<hbm>> -> memref<1x1x80x128xi32, #tpu.memory_space<hbm>>
      %dma_start3A_20 = tpu.memref_squeeze %dma_start3A_19 : memref<1x1x80x128xi32, #tpu.memory_space<hbm>> -> memref<80x128xi32, #tpu.memory_space<hbm>>
      %dma_start3A_21 = arith.constant 0 : i32
      %dma_start3A_22 = arith.constant 0 : i32
      %dma_start3A_23 = tpu.memref_slice %arg4[%add3A, %scan3A_5, %dma_start3A_21, %dma_start3A_22] : memref<32x1x80x128xi32, #tpu.memory_space<hbm>> -> memref<1x1x80x128xi32, #tpu.memory_space<hbm>>
      %dma_start3A_24 = tpu.memref_squeeze %dma_start3A_23 : memref<1x1x80x128xi32, #tpu.memory_space<hbm>> -> memref<80x128xi32, #tpu.memory_space<hbm>>
      tpu.enqueue_dma source(%dma_start3A_24 : memref<80x128xi32, #tpu.memory_space<hbm>>) target(%arg8 : memref<80x128xi32, #tpu.memory_space<vmem>>) target_semaphore(%run_scoped3A : memref<!tpu.dma_semaphore, #tpu.memory_space<semaphore_mem>>)
      %dma_wait3A = arith.constant 0 : i32
      %dma_wait3A_25 = arith.constant 0 : i32
      %dma_wait3A_26 = tpu.memref_slice %arg4[%add3A, %scan3A_5, %dma_wait3A, %dma_wait3A_25] : memref<32x1x80x128xi32, #tpu.memory_space<hbm>> -> memref<1x1x80x128xi32, #tpu.memory_space<hbm>>
      %dma_wait3A_27 = tpu.memref_squeeze %dma_wait3A_26 : memref<1x1x80x128xi32, #tpu.memory_space<hbm>> -> memref<80x128xi32, #tpu.memory_space<hbm>>
      %dma_wait3A_28 = arith.constant 0 : i32
      %dma_wait3A_29 = arith.constant 0 : i32
      %dma_wait3A_30 = tpu.memref_slice %arg4[%add3A, %scan3A_5, %dma_wait3A_28, %dma_wait3A_29] : memref<32x1x80x128xi32, #tpu.memory_space<hbm>> -> memref<1x1x80x128xi32, #tpu.memory_space<hbm>>
      %dma_wait3A_31 = tpu.memref_squeeze %dma_wait3A_30 : memref<1x1x80x128xi32, #tpu.memory_space<hbm>> -> memref<80x128xi32, #tpu.memory_space<hbm>>
      tpu.wait_dma2 semaphore(%run_scoped3A : memref<!tpu.dma_semaphore, #tpu.memory_space<semaphore_mem>>) src(%dma_wait3A_31 : memref<80x128xi32, #tpu.memory_space<hbm>>) dst(%arg8 : memref<80x128xi32, #tpu.memory_space<vmem>>)
      tpu.yield
    }) : () -> ()
    %scan3A_6 = arith.constant 0 : i32
    %scan3A_7 = arith.constant 0 : i32
    %scan3A_8 = arith.constant 80 : i32
    %scan3A_9 = arith.addi %scan3A_7, %scan3A_8 : i32
    %scan3A_10 = arith.constant 1 : i32
    scf.for %scan3A_18 = %scan3A_7 to %scan3A_9 step %scan3A_10  : i32 {
      %dma_start3A = arith.constant 0 : i32
      %dma_start3A_19 = tpu.memref_slice %arg7[%scan3A_18, %dma_start3A] : memref<80x128xi32, #tpu.memory_space<vmem>> -> memref<1x128xi32, #tpu.memory_space<vmem>>
      %dma_start3A_20 = tpu.memref_squeeze %dma_start3A_19 : memref<1x128xi32, #tpu.memory_space<vmem>> -> memref<128xi32, #tpu.memory_space<vmem>>
      %dma_start3A_21 = arith.constant 0 : i32
      %dma_start3A_22 = arith.constant 0 : i32
      %dma_start3A_23 = tpu.memref_slice %arg2[%dma_start3A_21, %dma_start3A_22] : memref<10000x128xf32, #tpu.memory_space<hbm>> -> memref<10000x128xf32, #tpu.memory_space<hbm>>
      tpu.enqueue_indirect_dma source(%dma_start3A_23 : memref<10000x128xf32, #tpu.memory_space<hbm>>) target(%arg9 : memref<128x128xf32, #tpu.memory_space<vmem>>) offsets(%dma_start3A_20 : memref<128xi32, #tpu.memory_space<vmem>>) semaphore(%arg11 : memref<!tpu.dma_semaphore, #tpu.memory_space<semaphore_mem>>)
      %dma_wait3A = arith.constant 0 : i32
      %dma_wait3A_24 = tpu.memref_slice %arg7[%scan3A_18, %dma_wait3A] : memref<80x128xi32, #tpu.memory_space<vmem>> -> memref<1x128xi32, #tpu.memory_space<vmem>>
      %dma_wait3A_25 = tpu.memref_squeeze %dma_wait3A_24 : memref<1x128xi32, #tpu.memory_space<vmem>> -> memref<128xi32, #tpu.memory_space<vmem>>
      %dma_wait3A_26 = arith.constant 0 : i32
      %dma_wait3A_27 = arith.constant 0 : i32
      %dma_wait3A_28 = tpu.memref_slice %arg2[%dma_wait3A_26, %dma_wait3A_27] : memref<10000x128xf32, #tpu.memory_space<hbm>> -> memref<10000x128xf32, #tpu.memory_space<hbm>>
      tpu.wait_indirect_dma semaphore(%arg11 : memref<!tpu.dma_semaphore, #tpu.memory_space<semaphore_mem>>) src(%dma_wait3A_28 : memref<10000x128xf32, #tpu.memory_space<hbm>>) dst(%arg9 : memref<128x128xf32, #tpu.memory_space<vmem>>)
      "tpu.region"() ({
        %run_scoped3A = tpu.sem_alloc : memref<!tpu.dma_semaphore, #tpu.memory_space<semaphore_mem>>
        %dma_start3A_29 = arith.constant 0 : i32
        %dma_start3A_30 = tpu.memref_slice %arg8[%scan3A_18, %dma_start3A_29] : memref<80x128xi32, #tpu.memory_space<vmem>> -> memref<1x128xi32, #tpu.memory_space<vmem>>
        %dma_start3A_31 = tpu.memref_squeeze %dma_start3A_30 : memref<1x128xi32, #tpu.memory_space<vmem>> -> memref<128xi32, #tpu.memory_space<vmem>>
        %dma_start3A_32 = arith.constant 0 : i32
        %dma_start3A_33 = arith.constant 0 : i32
        %dma_start3A_34 = tpu.memref_slice %arg10[%dma_start3A_32, %dma_start3A_33] : memref<10112x128xf32, #tpu.memory_space<vmem_shared>> -> memref<10112x128xf32, #tpu.memory_space<vmem_shared>>
        tpu.enqueue_indirect_dma source(%arg9 : memref<128x128xf32, #tpu.memory_space<vmem>>) target(%dma_start3A_34 : memref<10112x128xf32, #tpu.memory_space<vmem_shared>>) offsets(%dma_start3A_31 : memref<128xi32, #tpu.memory_space<vmem>>) semaphore(%run_scoped3A : memref<!tpu.dma_semaphore, #tpu.memory_space<semaphore_mem>>) {add = true}
        %dma_wait3A_35 = arith.constant 0 : i32
        %dma_wait3A_36 = tpu.memref_slice %arg8[%scan3A_18, %dma_wait3A_35] : memref<80x128xi32, #tpu.memory_space<vmem>> -> memref<1x128xi32, #tpu.memory_space<vmem>>
        %dma_wait3A_37 = tpu.memref_squeeze %dma_wait3A_36 : memref<1x128xi32, #tpu.memory_space<vmem>> -> memref<128xi32, #tpu.memory_space<vmem>>
        %dma_wait3A_38 = arith.constant 0 : i32
        %dma_wait3A_39 = arith.constant 0 : i32
        %dma_wait3A_40 = tpu.memref_slice %arg10[%dma_wait3A_38, %dma_wait3A_39] : memref<10112x128xf32, #tpu.memory_space<vmem_shared>> -> memref<10112x128xf32, #tpu.memory_space<vmem_shared>>
        tpu.wait_indirect_dma semaphore(%run_scoped3A : memref<!tpu.dma_semaphore, #tpu.memory_space<semaphore_mem>>) src(%arg9 : memref<128x128xf32, #tpu.memory_space<vmem>>) dst(%dma_wait3A_40 : memref<10112x128xf32, #tpu.memory_space<vmem_shared>>)
        tpu.yield
      }) : () -> ()
    }
    %scan3A_11 = arith.constant 80 : i32
    %scan3A_12 = arith.constant 1 : i32
    %barrier3A_13 = arith.constant 0 : index
    tpu.barrier barrier_id(%barrier3A_13)
    %mul3A_14 = arith.constant 632 : i32
    %mul3A_15 = arith.muli %arg1, %mul3A_14 : i32
    %mul3A_16 = arith.constant 632 : i32
    %mul3A_17 = arith.muli %arg1, %mul3A_16 : i32
    "tpu.region"() ({
      %run_scoped3A = tpu.sem_alloc : memref<!tpu.dma_semaphore, #tpu.memory_space<semaphore_mem>>
      %dma_start3A = arith.constant 0 : i32
      %dma_start3A_18 = tpu.memref_slice %arg6[%arg0, %mul3A_17, %dma_start3A] : memref<2x10112x128xf32, #tpu.memory_space<hbm>> -> memref<1x632x128xf32, #tpu.memory_space<hbm>>
      %dma_start3A_19 = tpu.memref_squeeze %dma_start3A_18 : memref<1x632x128xf32, #tpu.memory_space<hbm>> -> memref<632x128xf32, #tpu.memory_space<hbm>>
      %dma_start3A_20 = arith.constant 0 : i32
      %dma_start3A_21 = tpu.memref_slice %arg10[%mul3A_15, %dma_start3A_20] : memref<10112x128xf32, #tpu.memory_space<vmem_shared>> -> memref<632x128xf32, #tpu.memory_space<vmem_shared>>
      tpu.enqueue_dma source(%dma_start3A_21 : memref<632x128xf32, #tpu.memory_space<vmem_shared>>) target(%dma_start3A_19 : memref<632x128xf32, #tpu.memory_space<hbm>>) target_semaphore(%run_scoped3A : memref<!tpu.dma_semaphore, #tpu.memory_space<semaphore_mem>>)
      %dma_wait3A = arith.constant 0 : i32
      %dma_wait3A_22 = tpu.memref_slice %arg6[%arg0, %mul3A_17, %dma_wait3A] : memref<2x10112x128xf32, #tpu.memory_space<hbm>> -> memref<1x632x128xf32, #tpu.memory_space<hbm>>
      %dma_wait3A_23 = tpu.memref_squeeze %dma_wait3A_22 : memref<1x632x128xf32, #tpu.memory_space<hbm>> -> memref<632x128xf32, #tpu.memory_space<hbm>>
      %dma_wait3A_24 = arith.constant 0 : i32
      %dma_wait3A_25 = tpu.memref_slice %arg10[%mul3A_15, %dma_wait3A_24] : memref<10112x128xf32, #tpu.memory_space<vmem_shared>> -> memref<632x128xf32, #tpu.memory_space<vmem_shared>>
      tpu.wait_dma2 semaphore(%run_scoped3A : memref<!tpu.dma_semaphore, #tpu.memory_space<semaphore_mem>>) src(%dma_wait3A_25 : memref<632x128xf32, #tpu.memory_space<vmem_shared>>) dst(%dma_wait3A_23 : memref<632x128xf32, #tpu.memory_space<hbm>>)
      tpu.yield
    }) : () -> ()
    return
  }
}

</mosaic_0001>

<sc_bundles>
// kernel: _sc_agg.3.cloned.1.call-start
scs
__scs_entry_jumppad:
0x0: {  	(pc) =	sbr.rel $0x88, $3  }
0x1: {  	(tag) =	ssettag $0x0;
	lr =	simm.s32 $0x1  }
0x2: {  	[smem:$0x3F9D] =	sst lr;
	_ =	strace $0xD0000000  }
0x3: {  	_ = 	snop  }
0x4: {  	_ = 	snop  }
0x5: {  	_ = 	snop  }
0x6: {  	_ = 	snop  }
0x7: {  	_ = 	snop  }
__scs_overlays_trampoline_lowered:
0x8: {  	[smem:$0x3FAC] =	sst s0  }
0x9: {  	[smem:$0x3FAD] =	sst s1  }
0xa: {  	[smem:$0x3FAE] =	sst s2  }
0xb: {  	[smem:$0x3FAF] =	sst s3  }
0xc: {  	[smem:$0x3FB0] =	sst s4  }
0xd: {  	[smem:$0x3FB1] =	sst s5  }
0xe: {  	[smem:$0x3FB2] =	sst s6  }
0xf: {  	[smem:$0x3FB3] =	sst s7  }
0x10: {  	[smem:$0x3FB4] =	sst s8  }
0x11: {  	[smem:$0x3FB5] =	sst s9;
	s0 =	simm.s32 @!p0 $0x0  }
0x12: {  	s1 =	sld [smem:$0x3F9B];
	s0 =	simm.s32 @p0 $0x1  }
0x13: {  	[smem:$0x3FB6] =	sst s0;
	s0 =	simm.s32 @!p1 $0x0  }
0x14: {  	s2 =	sld [smem:$0x3F9A];
	s0 =	simm.s32 @p1 $0x1  }
0x15: {  	[smem:$0x3FB7] =	sst s0;
	s0 =	simm.s32 @!p2 $0x0  }
0x16: {  	s3 =	sld [smem:$0x3FDB];
	s0 =	simm.s32 @p2 $0x1  }
0x17: {  	s4 =	simm.s32 $0x1BF5;
	[smem:$0x3FB9] =	sst s0  }
0x18: {  	s0 =	sld [smem:$0x3F9C];
	_ =	swait.ge [sflag:s4], $0x0  }
0x19: {  	s7 =	sld [smem:$0x3F9D]  }
0x1a: {  	s8 =	sadd.s32 $0xFFFFE003, lr  }
0x1b: {  	s9 =	sadd.s32 $0xFFFFFEF7, lr;
	s5 =	simm.s32 $0xFFFFFFFF;
	p2 =	slt.u32 s8, $0xFFFFF086  }
0x1c: {  	p1 =	slt.u32 s9, $0xF7A;
	s5 =	simm.s32 @!p2 $0x0  }
0x1d: {  	s5 =	simm.s32 @p1 $0x1;
	p0 =	seq.s32 s7, s2  }
0x1e: {  	s7 =	smul.u32 @!p0 $0xF7A, s2;
	p2 =	seq.s32 @!p0 s5, $0x0  }
0x1f: {  	s9 =	smul.u32 $0xF7A, s1;
	s8 =	simm.s32 @!p0 $0x1BF5;
	p2 =	por !p2, p0  }
0x20: {  	[sflag:s8] =	ssyncset.s32 @!p0 $0xFFFFF086;
	s6 =	sadd.s32 @!p0 s3, s7;
	s7 =	simm.s32 @!p0 $0x108  }
0x21: {  	s3 =	sadd.s32 s3, s9;
	s6 =	sadd.s32 @!p0 $0x88, s6;
	s7 =	simm.s32 @p2 $0x1082  }
0x22: {  	[simem:s7], [sflag:s8] =	dma.local @!p0 [hbm:s6], $0xF7A  }
0x23: {  	s9 =	sor.u32 $0xD0000000, s2;
	s6 =	simm.s32 $0x108;
	_ =	swait.ge @!p0 [sflag:s8], $0x0  }
0x24: {  	s3 =	sadd.s32 $0x88, s3;
	s6 =	simm.s32 @!p1 $0x1082;
	[sflag:s4] =	ssyncset.s32 $0xFFFFF086  }
0x25: {  	[simem:s6], [sflag:s4] =	dma.local [hbm:s3], $0xF7A  }
0x26: {  	[smem:$0x3F9D] =	sst s1;
	(tag) =	ssettag s2;
	_ =	strace s9  }
0x27: {  	s1 =	sld [smem:$0x3FAD]  }
0x28: {  	s2 =	sld [smem:$0x3FAE]  }
0x29: {  	s4 =	sld [smem:$0x3FB0]  }
0x2a: {  	p0 =	seq.s32 s5, $0x0;
	s5 =	sld [smem:$0x3FB1]  }
0x2b: {  	s6 =	sld [smem:$0x3FB2]  }
0x2c: {  	s7 =	sld [smem:$0x3FB3]  }
0x2d: {  	s3 =	simm.s32 $0x108;
	s8 =	sld [smem:$0x3FB4]  }
0x2e: {  	s3 =	simm.s32 @!p0 $0x1082;
	s9 =	sld [smem:$0x3FB5]  }
0x2f: {  	lr =	sadd.s32 s0, s3;
	s0 =	sld [smem:$0x3FAC]  }
0x30: {  	s3 =	sld [smem:$0x3FAF]  }
0x31: {  	[smem:$0x3FB8] =	sst s10  }
0x32: {  	s10 =	sld [smem:$0x3FB6];
	_ =	sdelay $0x3  }
0x33: {  	p0 =	seq.s32 s10, $0x1;
	s10 =	sld [smem:$0x3FB8];
	_ =	sdelay $0x3  }
0x34: {  	[smem:$0x3FB8] =	sst s10  }
0x35: {  	s10 =	sld [smem:$0x3FB7];
	_ =	sdelay $0x3  }
0x36: {  	p1 =	seq.s32 s10, $0x1;
	s10 =	sld [smem:$0x3FB8];
	_ =	sdelay $0x3  }
0x37: {  	[smem:$0x3FB8] =	sst s10  }
0x38: {  	s10 =	sld [smem:$0x3FB9]  }
0x39: {  	_ = 	snop;
	(pc) =	sbr.ind lr, $3  }
0x3a: {  	_ = 	snop  }
0x3b: {  	_ = 	snop  }
0x3c: {  	p2 =	seq.s32 s10, $0x1;
	s10 =	sld [smem:$0x3FB8]  }
0x3d: {  	_ =	shalt  }
0x3e: {  	_ =	shalt  }
0x3f: {  	_ =	shalt  }
0x40: {  	_ =	shalt  }
0x41: {  	_ =	shalt  }
0x42: {  	_ =	shalt  }
0x43: {  	_ =	shalt  }
0x44: {  	_ =	shalt  }
0x45: {  	_ =	shalt  }
0x46: {  	_ =	shalt  }
0x47: {  	_ =	shalt  }
0x48: {  	_ =	shalt  }
0x49: {  	_ =	shalt  }
0x4a: {  	_ =	shalt  }
0x4b: {  	_ =	shalt  }
0x4c: {  	_ =	shalt  }
0x4d: {  	_ =	shalt  }
0x4e: {  	_ =	shalt  }
0x4f: {  	_ =	shalt  }
0x50: {  	_ =	shalt  }
0x51: {  	_ =	shalt  }
0x52: {  	_ =	shalt  }
0x53: {  	_ =	shalt  }
0x54: {  	_ =	shalt  }
0x55: {  	_ =	shalt  }
0x56: {  	_ =	shalt  }
0x57: {  	_ =	shalt  }
0x58: {  	_ =	shalt  }
0x59: {  	_ =	shalt  }
0x5a: {  	_ =	shalt  }
0x5b: {  	_ =	shalt  }
0x5c: {  	_ =	shalt  }
0x5d: {  	_ =	shalt  }
0x5e: {  	_ =	shalt  }
0x5f: {  	_ =	shalt  }
0x60: {  	_ =	shalt  }
0x61: {  	_ =	shalt  }
0x62: {  	_ =	shalt  }
0x63: {  	_ =	shalt  }
0x64: {  	_ =	shalt  }
0x65: {  	_ =	shalt  }
0x66: {  	_ =	shalt  }
0x67: {  	_ =	shalt  }
0x68: {  	_ =	shalt  }
0x69: {  	_ =	shalt  }
0x6a: {  	_ =	shalt  }
0x6b: {  	_ =	shalt  }
0x6c: {  	_ =	shalt  }
0x6d: {  	_ =	shalt  }
0x6e: {  	_ =	shalt  }
0x6f: {  	_ =	shalt  }
0x70: {  	_ =	shalt  }
0x71: {  	_ =	shalt  }
0x72: {  	_ =	shalt  }
0x73: {  	_ =	shalt  }
0x74: {  	_ =	shalt  }
0x75: {  	_ =	shalt  }
0x76: {  	_ =	shalt  }
0x77: {  	_ =	shalt  }
0x78: {  	_ =	shalt  }
0x79: {  	_ =	shalt  }
0x7a: {  	_ =	shalt  }
0x7b: {  	_ =	shalt  }
0x7c: {  	_ =	shalt  }
0x7d: {  	_ =	shalt  }
0x7e: {  	_ =	shalt  }
0x7f: {  	_ =	shalt  }
0x80: {  	_ =	shalt  }
0x81: {  	_ =	shalt  }
0x82: {  	_ =	shalt  }
0x83: {  	_ =	shalt  }
0x84: {  	_ =	shalt  }
0x85: {  	_ =	shalt  }
0x86: {  	_ =	shalt  }
0x87: {  	_ =	shalt  }
.Lfunc_end0:
.L_simem_size_0:
called_computation_lowered:
.L_overlay_start_0:
0x88: {  	s2 =	sld [smem:$0x3FD9]  }
0x89: {  	s3 =	sld [smem:$0x3FFE];
	_ =	sdelay $0x1  }
0x8a: {  	s1 =	srdreg.scid  }
0x8b: {  	s0 =	sand.u32 $0x1, s1  }
0x8c: {  	s18 =	sshll.u32 s0, $0xA;
	s2 =	sadd.s32 s3, s2  }
0x8d: {  	s2 =	sadd.s32 s2, s18  }
0x8e: {  	[smem:$0x3FC4] =	sst s2  }
0x8f: {  	_ = 	snop  }
0x90: {  	s2 =	sld [smem:$0x3FC9]  }
0x91: {  	s19 =	sld [smem:$0x3FC8]  }
0x92: {  	s4 =	sld [smem:$0x3FC7]  }
0x93: {  	s5 =	sld [smem:$0x3FC6]  }
0x94: {  	s6 =	sld [smem:$0x3FD0];
	(tm) =	ssettm $0x1  }
0x95: {  	s7 =	sld [smem:$0x3FFB];
	_ =	sdelay $0x3  }
0x96: {  	_ =	strace s7  }
0x97: {  	s7 =	sld [smem:$0x3FFC];
	_ =	sdelay $0x3  }
0x98: {  	_ =	strace s7  }
0x99: {  	s7 =	sld [smem:$0x3FFD];
	_ =	sdelay $0x3  }
0x9a: {  	_ =	strace s7  }
0x9b: {  	_ =	strace $0x8FFFFFFF  }
0x9c: {  	s20 =	sld [smem:$0x3FDB];
	_ =	sdelay $0x1  }
0x9d: {  	s8 =	simm.s32 $_scs_section_size  }
0x9e: {  	s9 =	simm.s32 $_size__tile_overlayer_lowered;
	s10 =	simm.s32 $_tile_overlayer_lowered  }
0x9f: {  	s23 =	simm.s32 $0x1BFF;
	s22 =	sshll.u32 s10, $0x1;
	s7 =	sadd.s32 s8, s20  }
0xa0: {  	s11 =	simm.s32 $0x0;
	s21 =	sshll.u32 s9, $0x1;
	s9 =	sadd.s32 s22, s7  }
0xa1: {  	[timem:s11], [sflag:s23] =	dma.local [hbm:s9], s21  }
0xa2: {  	_ =	swait.ge [sflag:s23], s21  }
0xa3: {  	s8 =	ssub.s32 $0x0, s21;
	[sflag:s23] =	ssyncset.done $0x0  }
0xa4: {  	[sflag:s23] =	ssyncadd.s32 s8;
	_ =	sdelay $0x1  }
0xa5: {  	s24 =	simm.s32 $0x1B8B  }
0xa6: {  	_ =	swait.ge [sflag:s24], $0x1  }
0xa7: {  	[sflag:s24] =	ssyncset.done $0x0  }
0xa8: {  	s25 =	simm.s32 $0x1B8E;
	[sflag:s24] =	ssyncadd.s32 $0xFFFFFFFF  }
0xa9: {  	s26 =	simm.s32 $execute0_lowered;
	[smem:$0x3FD2] =	sst s25  }
0xaa: {  	s8 =	sshll.u32 s26, $0x1;
	_ =	strace $0x80000046;
	[dreg:$0x1] =	wrdreg $0xFFFFFFFF  }
0xab: {  	s28 =	simm.s32 $_size_execute0_lowered;
	s7 =	sadd.s32 s7, s8;
	[dreg:$0x0] =	wrdreg $0x0  }
0xac: {  	s8 =	sshll.u32 s28, $0x1;
	[dreg:$0x2] =	wrdreg s7  }
0xad: {  	[dreg:$0x3] =	wrdreg s8  }
0xae: {  	[dreg:$0x4] =	wrdreg $0xC0  }
0xaf: {  	_ =	task [dreg:s11], $0x5FFFF  }
0xb0: {  	[dreg:$0x1] =	wrdreg $0xFFFFFFFF  }
0xb1: {  	[dreg:$0x0] =	wrdreg $0x60  }
0xb2: {  	[dreg:$0x2] =	wrdreg s2  }
0xb3: {  	[dreg:$0x3] =	wrdreg s19  }
0xb4: {  	[dreg:$0x4] =	wrdreg s4  }
0xb5: {  	[dreg:$0x5] =	wrdreg s5  }
0xb6: {  	[dreg:$0x6] =	wrdreg s6  }
0xb7: {  	[dreg:$0x7] =	wrdreg $0x90000  }
0xb8: {  	[dreg:$0x8] =	wrdreg $0x9  }
0xb9: {  	_ =	task.clear_ibuf [dreg:s11], $0x9FFFF;
	_ =	strace $0x90000046  }
0xba: {  	s29 =	simm.s32 $0x9;
	_ =	strace $0x80000048  }
0xbb: {  	_ =	swait.ge [sflag:s29], $0x1  }
0xbc: {  	[sflag:s29] =	ssyncadd.s32 $0xFFFFFFFF  }
0xbd: {  	_ =	strace $0x90000048  }
0xbe: {  	_ =	sfence  }
0xbf: {  	s30 =	sld [smem:$0x0];
	_ =	sdelay $0x2  }
0xc0: {  	s31 =	sshll.u32 s1, $0xD;
	s1 =	sshrl.u32 s1, $0x2  }
0xc1: {  	s3 =	sand.u32 $0x4000, s31;
	s1 =	sadd.s32 s1, s30  }
0xc2: {  	s0 =	sor.u32 s3, s0;
	s1 =	sshll.u32 s1, $0x11  }
0xc3: {  	s0 =	sor.u32 s1, s0  }
0xc4: {  	s0 =	sadd.s32 $0x8F2B, s0  }
0xc5: {  	[sflag:s0] =	ssyncadd.remote.s32 $0x1  }
0xc6: {  	_ =	sfence.sel $0xFFFF  }
0xc7: {  	[dreg:$0x0] =	wrdreg $0xFFFFFFFF;
	(pc) =	sbr.abs _section_cstart, $3  }
0xc8: {  	[dreg:$0x1] =	wrdreg $0xFFFFFFFF  }
0xc9: {  	_ =	task.clear_ibuf [dreg:s11], $0x2FFFF;
	_ =	strace $0x9FFFFFFF  }
0xca: {  	(tm) =	ssettm $0x7FFFFFFF  }
0xcb: {  	_ =	shalt  }
tec
execute0_lowered:
.L_overlay_start_1:
0x0: {  	(tag) =	ssettag $0x1  }
0x1: {  	s0 =	rddreg [dreg:$0x0]  }
0x2: {  	s7 =	rddreg [dreg:$0x1]  }
0x3: {  	s8 =	rddreg [dreg:$0x2]  }
0x4: {  	s5 =	rddreg [dreg:$0x3]  }
0x5: {  	s9 =	rddreg [dreg:$0x4]  }
0x6: {  	s2 =	rddreg [dreg:$0x5]  }
0x7: {  	s3 =	srdreg.scid;
	s1 =	rddreg [dreg:$0x6]  }
0x8: {  	s4 =	simm.s32 $0x0;
	s6 =	sand.u32 $0x1, s3;
	s3 =	stileid.u32  }
0x9: {  	s16 =	simm.s32 $0x1;
	s17 =	simm.s32 $0x0;
	s12 =	smul.u32 $0x4F000, s3  }
0xa: {  	[smem:$0x7FF] =	sst s4;
	s10 =	ssub.s32 $0x2, s6;
	s30 =	smul.u32 $0x13C00, s3  }
0xb: {  	_ =	strace $0x80000047;
	s13 =	sshll.u32 s3, $0x1;
	s14 =	smul.u32 $0x13C000, s6  }
0xc: {  	s15 =	sshll.u32 s3, $0x6;
	s11 =	sshrl.u32 s10, $0x1;
	s13 =	sor.u32 s6, s13  }
0xd: {  	s6 =	sor.u32 $0x1C02, s15;
	s15 =	simm.s32 $0x5000;
	s10 =	ssub.s32 s10, s11  }
0xe: {  	s29 =	sshrl.u32 s12, $0x2;
	s31 =	sshrl.u32 s30, $0x3;
	s13 =	smul.u32 $0x500, s13  }
0xf: {  	s12 =	sadd.s32 s30, s14;
	s14 =	simm.s32 $0x80;
	s11 =	sadd.s32 s29, s2  }
0x10: {  	s5 =	sadd.s32 s5, s31;
	s12 =	sshrl.u32 s12, $0x3;
	s10 =	smax.u32 s10, $0x1  }
0x11: {  	s7 =	sadd.s32 s7, s13;
	s8 =	sadd.s32 s8, s13;
	s9 =	sadd.s32 s9, s12  }
0x12: {  	s11 =	sshrl.u32 s11, $0x3;
	s12 =	simm.s32 $0x2;
	s13 =	simm.s32 $0x2800  }
.LBB2_1:
0x13: {  	[spmem:s11], [sflag:s6] =	dma.local [hbm:s5], $0x2780  }
0x14: {  	_ =	swait.ge [sflag:s12], $0x2780  }
0x15: {  	[sflag:s12] =	ssyncset.done $0x0  }
0x16: {  	[sflag:s12] =	ssyncadd.s32 $0xFFFFD880  }
0x17: {  	[bflag:$0x0] =	sbarrier.arrive $0xFFFF  }
0x18: {  	[tilespmem:s4], [sflag:$0x2] =	stream.linear.gather [hbm4b:s7+s4], $0x2800, $0x38;
	[tilespmem:$0x1CC00] =	vst v63  }
0x19: {  	_ =	swait.ge [sflag:s12], $0x2800  }
0x1a: {  	[sflag:s12] =	ssyncset.done $0x0  }
0x1b: {  	[sflag:s12] =	ssyncadd.s32 $0xFFFFD800  }
0x1c: {  	[tilespmem:s13], [sflag:$0x2] =	stream.linear.gather [hbm4b:s8+s4], $0x2800, $0x38;
	[tilespmem:$0x1CC00] =	vst v63  }
0x1d: {  	_ =	swait.ge [sflag:s12], $0x2800  }
0x1e: {  	[sflag:s12] =	ssyncset.done $0x0  }
0x1f: {  	s18 =	simm.s32 $0x0;
	[sflag:s12] =	ssyncadd.s32 $0xFFFFD800  }
0x20: {  	[tilespmem:s15], [sflag:$0x1] =	stream.indirect.gather [hbm4b:s0+s14], $0x80, s18, s14, $0xb8;
	[tilespmem:$0x1CC00] =	vst v63  }
0x21: {  	_ =	swait.ge [sflag:s16], $0x4000  }
0x22: {  	[sflag:s16] =	ssyncset.done $0x0  }
0x23: {  	s31 =	simm.s32 $0x2800;
	[sflag:s16] =	ssyncadd.s32 $0xFFFFC000  }
0x24: {  	[spmem:s2] =	stream.indirect.scatter.add.f32 [tilespmem:s15], [sflag:$0x2], $0x80, s31, s14, $0xb8;
	[tilespmem:$0x1CC00] =	vst v63  }
0x25: {  	_ =	swait.ge [sflag:s12], $0x4000  }
0x26: {  	s19 =	simm.s32 $0x400;
	s18 =	simm.s32 $0x200;
	[sflag:s12] =	ssyncset.done $0x0  }
.LBB2_2:
0x27: {  	s20 =	sshra.s32 s18, $0x2  }
0x28: {  	[sflag:s12] =	ssyncadd.s32 $0xFFFFC000;
	s18 =	smov.u32 s19;
	s21 =	sadd.s32 $0x200, s19  }
0x29: {  	[tilespmem:s15], [sflag:$0x1] =	stream.indirect.gather [hbm4b:s0+s14], $0x80, s20, s14, $0xb8;
	[tilespmem:$0x1CC00] =	vst v63  }
0x2a: {  	p0 =	sne.s32 s19, $0x9E00;
	_ =	swait.ge [sflag:s16], $0x4000  }
.Ltmp0:
0x2b: {  	[sflag:s16] =	ssyncset.done $0x0;
	(pc) =	sbr.rel @p0 .LBB2_2-.Ltmp0, $4  }
0x2c: {  	s19 =	sadd.s32 $0x2800, s20;
	[sflag:s16] =	ssyncadd.s32 $0xFFFFC000  }
0x2d: {  	[spmem:s2] =	stream.indirect.scatter.add.f32 [tilespmem:s15], [sflag:$0x2], $0x80, s19, s14, $0xb8;
	[tilespmem:$0x1CC00] =	vst v63  }
0x2e: {  	_ =	swait.ge [sflag:s12], $0x4000  }
0x2f: {  	s19 =	smov.u32 s21;
	[sflag:s12] =	ssyncset.done $0x0  }
0x30: {  	s18 =	sshra.s32 s18, $0x2;
	[sflag:s12] =	ssyncadd.s32 $0xFFFFC000  }
0x31: {  	[tilespmem:s15], [sflag:$0x1] =	stream.indirect.gather [hbm4b:s0+s14], $0x80, s18, s14, $0xb8;
	[tilespmem:$0x1CC00] =	vst v63  }
0x32: {  	_ =	swait.ge [sflag:s16], $0x4000  }
0x33: {  	[sflag:s16] =	ssyncset.done $0x0  }
0x34: {  	s18 =	sadd.s32 $0x2800, s18;
	[sflag:s16] =	ssyncadd.s32 $0xFFFFC000  }
0x35: {  	[spmem:s2] =	stream.indirect.scatter.add.f32 [tilespmem:s15], [sflag:$0x2], $0x80, s18, s14, $0xb8;
	[tilespmem:$0x1CC00] =	vst v63  }
0x36: {  	_ =	swait.ge [sflag:s12], $0x4000  }
0x37: {  	s17 =	sadd.s32 $0x1, s17;
	[sflag:s12] =	ssyncset.done $0x0  }
0x38: {  	p0 =	sne.s32 s17, s10;
	[sflag:s12] =	ssyncadd.s32 $0xFFFFC000  }
.Ltmp1:
0x39: {  	[bflag:$0x0] =	sbarrier.arrive $0xFFFF;
	(pc) =	sbr.rel @p0 .LBB2_1-.Ltmp1, $4  }
0x3a: {  	[hbm:s9], [sflag:s6] =	dma.local [spmem:s11], $0x2780  }
0x3b: {  	_ =	swait.ge [sflag:s12], $0x2780  }
0x3c: {  	[sflag:s12] =	ssyncset.done $0x0  }
0x3d: {  	[sflag:s12] =	ssyncadd.s32 $0xFFFFD880  }
0x3e: {  	_ =	sfence.sel $0x180000  }
0x3f: {  	[bflag:$0x0] =	sbarrier.arrive $0xFFFF  }
0x40: {  	p0 =	sne.s32 s3, $0x0;
	_ =	strace $0x90000047  }
0x41: {  	s0 =	sadd.s32 @!p0 $0x100000, s1;
	[bflag:$0x2] =	sbarrier.arrive $0xFFFF  }
0x42: {  	[sflag:s0] =	ssyncadd.tile.s32 @!p0 $0x1;
	_ =	shalt  }
.Lfunc_end2:
_tile_overlayer_lowered:
.L_overlay_start_2:
0x43: {  	(tag) =	ssettag $0x2  }
0x44: {  	s0 =	rddreg [dreg:$0x0];
	s2 =	stileid.u32  }
0x45: {  	s1 =	rddreg [dreg:$0x1];
	p0 =	sne.s32 s2, $0x0  }
0x46: {  	s3 =	rddreg [dreg:$0x2];
	[bflag:$0x3] =	sbarrier.arrive $0xFFFF;
	s2 =	simm.s32 @!p0 $0x1C02  }
0x47: {  	[timem:s3], [sflag:s2] =	dma.local @!p0 [hbm:s0], s1  }
0x48: {  	s0 =	simm.s32 @!p0 $0x2  }
0x49: {  	_ =	swait.ge @!p0 [sflag:s0], s1  }
0x4a: {  	s1 =	ssub.s32 @!p0 $0x0, s1;
	[sflag:s0] =	ssyncset.done @!p0 $0x0  }
0x4b: {  	[sflag:s0] =	ssyncadd.s32 @!p0 s1  }
0x4c: {  	[bflag:$0x3] =	sbarrier.arrive $0xFFFF  }
0x4d: {  	_ =	shalt  }

</sc_bundles>
